<compile_context>
chip_gen: v7x
topology: tpu7x:2x2x1
jax: 0.10.2.dev20260603
libtpu: 0.0.44.dev20260713+nightly
codegen_flags: <defaults>
</compile_context>

<pallas_src>
import functools

import jax
import jax.numpy as jnp
from jax import lax
from jax.experimental import pallas as pl
from jax.experimental.pallas import tpu as pltpu
from jax.experimental.pallas import tpu_sc as plsc

R = 64
S = 50176
M = 401408
N_ELEM = R * S
N_OUT = R * M
PARTS = 256
PART = N_OUT // PARTS
NW = 32
PPW = PARTS // NW
CH = 8192
BASE_MAX = N_ELEM - CH - 16
INT_MAX = jnp.iinfo(jnp.int32).max


def _scatter_body(sk_hbm, sv_hbm, bnd_hbm, out_hbm, bnd_s, kbuf, vbuf, obuf):
    w = lax.axis_index("s") * 2 + lax.axis_index("c")
    pltpu.sync_copy(bnd_hbm, bnd_s)
    zeros = jnp.zeros((16,), jnp.float32)

    def part_body(p, carry):
        t = w * PPW + p
        klo = t * PART
        bv = bnd_s[pl.ds(t, 16)]
        lo = bv[0]
        hi = bv[1]

        def zbody(i, c):
            for u in range(8):
                obuf[pl.ds((i * 8 + u) * 16, 16)] = zeros
            return c

        lax.fori_loop(0, PART // 128, zbody, 0)

        lo_al = lax.bitwise_and(lo, jnp.int32(-8))
        nch = (hi - lo_al + CH - 1) // CH

        def cbody(c, cc):
            base = pl.multiple_of(
                jnp.minimum(lo_al + c * CH, jnp.int32(BASE_MAX)), 8
            )
            pltpu.sync_copy(sk_hbm.at[pl.ds(base, CH + 24)], kbuf)
            pltpu.sync_copy(sv_hbm.at[pl.ds(base, CH + 16)], vbuf)

            def scatter16(o):
                kv = kbuf[pl.ds(o, 16)]
                kn = kbuf[pl.ds(o + 1, 16)]
                vv = vbuf[pl.ds(o, 16)]
                m = (kv >= klo) & (kv < klo + PART) & (kv != kn)
                plsc.store_scatter(obuf, [kv - klo], vv, mask=m)

            def sbody(i, c2):
                for u in range(4):
                    scatter16((i * 4 + u) * 16)
                return c2

            lax.fori_loop(0, CH // 64, sbody, 0)
            scatter16(CH)
            return cc

        lax.fori_loop(0, nch, cbody, 0)

        pltpu.sync_copy(obuf, out_hbm.at[pl.ds(t * PART, PART)])
        return carry

    lax.fori_loop(0, PPW, part_body, 0)


_scatter = functools.partial(
    pl.kernel,
    mesh=plsc.VectorSubcoreMesh(core_axis_name="c", subcore_axis_name="s"),
    out_type=jax.ShapeDtypeStruct((N_OUT,), jnp.float32),
    compiler_params=pltpu.CompilerParams(needs_layout_passes=False),
    scratch_types=[
        pltpu.VMEM((272,), jnp.int32),
        pltpu.VMEM((CH + 24,), jnp.int32),
        pltpu.VMEM((CH + 16,), jnp.float32),
        pltpu.VMEM((PART,), jnp.float32),
    ],
)(_scatter_body)


def kernel(input, indices):
    N, C, D, H, W = input.shape
    flat_v = input.reshape(-1)
    flat_i = indices.astype(jnp.int32).reshape(R, S)
    rows = jnp.arange(R, dtype=jnp.int32)[:, None]
    gkey = (rows * M + flat_i).reshape(-1)
    sk, sv = lax.sort((gkey, flat_v), dimension=0, num_keys=1, is_stable=False)
    bnd = jnp.searchsorted(
        sk, jnp.arange(PARTS + 1, dtype=jnp.int32) * PART
    ).astype(jnp.int32)
    bnd = jnp.pad(bnd, (0, 15), constant_values=N_ELEM)
    sk_p = jnp.concatenate([sk, jnp.full((8,), INT_MAX, jnp.int32)])
    out = _scatter(sk_p, sv, bnd)
    return out.reshape(N, C, 2 * D, 2 * H, 2 * W)

# --- scband reference (transcript-rebuilt; emitter-appended) ---
"""Pipeline reference for scband-max-unpool3d-3058016715412 (READ-ONLY COPY).

The authoritative reference and input builder live on the scoring server;
editing this copy changes nothing except your own understanding.
"""

import jax, jax.numpy as jnp
import numpy as np

KT, KH, KW = 2, 2, 2
DT, DH, DW = 2, 2, 2
PT, PH, PW = 0, 0, 0


def setup_inputs(seed: int = 0) -> dict:
    key = jax.random.key(seed)
    k1, k2 = jax.random.split(key)
    N, C, D, H, W = 2, 32, 16, 56, 56
    out_d = (D - 1) * DT + KT - 2 * PT
    out_h = (H - 1) * DH + KH - 2 * PH
    out_w = (W - 1) * DW + KW - 2 * PW
    inp = jax.random.normal(k1, (N, C, D, H, W), dtype=jnp.float32)
    indices = jax.random.randint(k2, (N, C, D, H, W), 0, out_d * out_h * out_w, dtype=jnp.int64)
    return {"input": inp, "indices": indices}


def reference(input, indices):
    N, C, D, H, W = input.shape
    out_d = (D - 1) * DT + KT - 2 * PT
    out_h = (H - 1) * DH + KH - 2 * PH
    out_w = (W - 1) * DW + KW - 2 * PW
    spatial_out = out_d * out_h * out_w
    flat_in = input.reshape(N * C, -1)
    flat_idx = indices.reshape(N * C, -1)
    rows = jnp.arange(N * C, dtype=flat_idx.dtype)[:, None]
    out = jnp.zeros((N * C, spatial_out), dtype=input.dtype).at[rows, flat_idx].set(flat_in)
    return out.reshape(N, C, out_d, out_h, out_w)

if __name__ == "__main__":
    import jax
    _d = setup_inputs()
    print(jax.jit(kernel)(*tuple(_d.values())))

</pallas_src>

<mosaic_0001>
#map = affine_map<(d0, d1) -> (0)>
module attributes {stable_mosaic.version = 14 : i64} {
  func.func @_scatter_body(%arg0: i32, %arg1: i32, %arg2: memref<3211272xi32, #tpu.memory_space<hbm>>, %arg3: memref<3211264xf32, #tpu.memory_space<hbm>>, %arg4: memref<272xi32, #tpu.memory_space<hbm>>, %arg5: memref<25690112xf32, #tpu.memory_space<hbm>>, %arg6: memref<272xi32, #tpu.memory_space<vmem>>, %arg7: memref<8216xi32, #tpu.memory_space<vmem>>, %arg8: memref<8208xf32, #tpu.memory_space<vmem>>, %arg9: memref<100352xf32, #tpu.memory_space<vmem>>) attributes {dimension_semantics = [#tpu.dimension_semantics<core_parallel>, #tpu.dimension_semantics<subcore_parallel>], iteration_bounds = array<i64: 2, 16>, scalar_prefetch = 0 : i64, scratch_operands = 4 : i64, tpu.core_type = #tpu.core_type<sc_vector_subcore>, window_params = [{transform_indices = #map}, {transform_indices = #map}, {transform_indices = #map}, {transform_indices = #map}]} {
    %mul3A = arith.constant 2 : i32
    %mul3A_0 = arith.muli %arg1, %mul3A : i32
    %add3A = arith.addi %mul3A_0, %arg0 : i32
    "tpu.region"() ({
      %run_scoped3A = tpu.sem_alloc : memref<!tpu.dma_semaphore, #tpu.memory_space<semaphore_mem>>
      tpu.enqueue_dma source(%arg4 : memref<272xi32, #tpu.memory_space<hbm>>) target(%arg6 : memref<272xi32, #tpu.memory_space<vmem>>) target_semaphore(%run_scoped3A : memref<!tpu.dma_semaphore, #tpu.memory_space<semaphore_mem>>)
      tpu.wait_dma2 semaphore(%run_scoped3A : memref<!tpu.dma_semaphore, #tpu.memory_space<semaphore_mem>>) src(%arg4 : memref<272xi32, #tpu.memory_space<hbm>>) dst(%arg6 : memref<272xi32, #tpu.memory_space<vmem>>)
      tpu.yield
    }) : () -> ()
    %broadcast_in_dim3A = arith.constant 0.000000e+00 : f32
    %broadcast_in_dim3A_1 = vector.broadcast %broadcast_in_dim3A : f32 to vector<16xf32>
    %scan3A = arith.constant 0 : i32
    %scan3A_2 = arith.constant 0 : i32
    %scan3A_3 = arith.constant 8 : i32
    %scan3A_4 = arith.addi %scan3A_2, %scan3A_3 : i32
    %scan3A_5 = arith.constant 1 : i32
    scf.for %scan3A_7 = %scan3A_2 to %scan3A_4 step %scan3A_5  : i32 {
      %mul3A_8 = arith.constant 8 : i32
      %mul3A_9 = arith.muli %add3A, %mul3A_8 : i32
      %add3A_10 = arith.addi %mul3A_9, %scan3A_7 : i32
      %mul3A_11 = arith.constant 100352 : i32
      %mul3A_12 = arith.muli %add3A_10, %mul3A_11 : i32
      %get3A = arith.index_cast %add3A_10 : i32 to index
      %get3A_13 = tpu.vector_load %arg6[%get3A] {strides = array<i32>} : memref<272xi32, #tpu.memory_space<vmem>>, vector<16xi32>,
      %slice3A = vector.extract_strided_slice %get3A_13 {offsets = [0], sizes = [1], strides = [1]} : vector<16xi32> to vector<1xi32>
      %squeeze3A = vector.extract %slice3A[0] : i32 from vector<1xi32>
      %slice3A_14 = vector.extract_strided_slice %get3A_13 {offsets = [1], sizes = [1], strides = [1]} : vector<16xi32> to vector<1xi32>
      %squeeze3A_15 = vector.extract %slice3A_14[0] : i32 from vector<1xi32>
      %scan3A_16 = arith.constant 0 : i32
      %scan3A_17 = arith.constant 0 : i32
      %scan3A_18 = arith.constant 784 : i32
      %scan3A_19 = arith.addi %scan3A_17, %scan3A_18 : i32
      %scan3A_20 = arith.constant 1 : i32
      scf.for %scan3A_56 = %scan3A_17 to %scan3A_19 step %scan3A_20  : i32 {
        %mul3A_57 = arith.constant 8 : i32
        %mul3A_58 = arith.muli %scan3A_56, %mul3A_57 : i32
        %add3A_59 = arith.constant 0 : i32
        %add3A_60 = arith.addi %mul3A_58, %add3A_59 : i32
        %mul3A_61 = arith.constant 16 : i32
        %mul3A_62 = arith.muli %add3A_60, %mul3A_61 : i32
        %swap3A = arith.index_cast %mul3A_62 : i32 to index
        %swap3A_63 = tpu.vector_load %arg9[%swap3A] {strides = array<i32>} : memref<100352xf32, #tpu.memory_space<vmem>>, vector<16xf32>,
        tpu.vector_store %arg9[%swap3A], %broadcast_in_dim3A_1 {strides = array<i32>} : memref<100352xf32, #tpu.memory_space<vmem>>, vector<16xf32>,
        %mul3A_64 = arith.constant 8 : i32
        %mul3A_65 = arith.muli %scan3A_56, %mul3A_64 : i32
        %add3A_66 = arith.constant 1 : i32
        %add3A_67 = arith.addi %mul3A_65, %add3A_66 : i32
        %mul3A_68 = arith.constant 16 : i32
        %mul3A_69 = arith.muli %add3A_67, %mul3A_68 : i32
        %swap3A_70 = arith.index_cast %mul3A_69 : i32 to index
        %swap3A_71 = tpu.vector_load %arg9[%swap3A_70] {strides = array<i32>} : memref<100352xf32, #tpu.memory_space<vmem>>, vector<16xf32>,
        tpu.vector_store %arg9[%swap3A_70], %broadcast_in_dim3A_1 {strides = array<i32>} : memref<100352xf32, #tpu.memory_space<vmem>>, vector<16xf32>,
        %mul3A_72 = arith.constant 8 : i32
        %mul3A_73 = arith.muli %scan3A_56, %mul3A_72 : i32
        %add3A_74 = arith.constant 2 : i32
        %add3A_75 = arith.addi %mul3A_73, %add3A_74 : i32
        %mul3A_76 = arith.constant 16 : i32
        %mul3A_77 = arith.muli %add3A_75, %mul3A_76 : i32
        %swap3A_78 = arith.index_cast %mul3A_77 : i32 to index
        %swap3A_79 = tpu.vector_load %arg9[%swap3A_78] {strides = array<i32>} : memref<100352xf32, #tpu.memory_space<vmem>>, vector<16xf32>,
        tpu.vector_store %arg9[%swap3A_78], %broadcast_in_dim3A_1 {strides = array<i32>} : memref<100352xf32, #tpu.memory_space<vmem>>, vector<16xf32>,
        %mul3A_80 = arith.constant 8 : i32
        %mul3A_81 = arith.muli %scan3A_56, %mul3A_80 : i32
        %add3A_82 = arith.constant 3 : i32
        %add3A_83 = arith.addi %mul3A_81, %add3A_82 : i32
        %mul3A_84 = arith.constant 16 : i32
        %mul3A_85 = arith.muli %add3A_83, %mul3A_84 : i32
        %swap3A_86 = arith.index_cast %mul3A_85 : i32 to index
        %swap3A_87 = tpu.vector_load %arg9[%swap3A_86] {strides = array<i32>} : memref<100352xf32, #tpu.memory_space<vmem>>, vector<16xf32>,
        tpu.vector_store %arg9[%swap3A_86], %broadcast_in_dim3A_1 {strides = array<i32>} : memref<100352xf32, #tpu.memory_space<vmem>>, vector<16xf32>,
        %mul3A_88 = arith.constant 8 : i32
        %mul3A_89 = arith.muli %scan3A_56, %mul3A_88 : i32
        %add3A_90 = arith.constant 4 : i32
        %add3A_91 = arith.addi %mul3A_89, %add3A_90 : i32
        %mul3A_92 = arith.constant 16 : i32
        %mul3A_93 = arith.muli %add3A_91, %mul3A_92 : i32
        %swap3A_94 = arith.index_cast %mul3A_93 : i32 to index
        %swap3A_95 = tpu.vector_load %arg9[%swap3A_94] {strides = array<i32>} : memref<100352xf32, #tpu.memory_space<vmem>>, vector<16xf32>,
        tpu.vector_store %arg9[%swap3A_94], %broadcast_in_dim3A_1 {strides = array<i32>} : memref<100352xf32, #tpu.memory_space<vmem>>, vector<16xf32>,
        %mul3A_96 = arith.constant 8 : i32
        %mul3A_97 = arith.muli %scan3A_56, %mul3A_96 : i32
        %add3A_98 = arith.constant 5 : i32
        %add3A_99 = arith.addi %mul3A_97, %add3A_98 : i32
        %mul3A_100 = arith.constant 16 : i32
        %mul3A_101 = arith.muli %add3A_99, %mul3A_100 : i32
        %swap3A_102 = arith.index_cast %mul3A_101 : i32 to index
        %swap3A_103 = tpu.vector_load %arg9[%swap3A_102] {strides = array<i32>} : memref<100352xf32, #tpu.memory_space<vmem>>, vector<16xf32>,
        tpu.vector_store %arg9[%swap3A_102], %broadcast_in_dim3A_1 {strides = array<i32>} : memref<100352xf32, #tpu.memory_space<vmem>>, vector<16xf32>,
        %mul3A_104 = arith.constant 8 : i32
        %mul3A_105 = arith.muli %scan3A_56, %mul3A_104 : i32
        %add3A_106 = arith.constant 6 : i32
        %add3A_107 = arith.addi %mul3A_105, %add3A_106 : i32
        %mul3A_108 = arith.constant 16 : i32
        %mul3A_109 = arith.muli %add3A_107, %mul3A_108 : i32
        %swap3A_110 = arith.index_cast %mul3A_109 : i32 to index
        %swap3A_111 = tpu.vector_load %arg9[%swap3A_110] {strides = array<i32>} : memref<100352xf32, #tpu.memory_space<vmem>>, vector<16xf32>,
        tpu.vector_store %arg9[%swap3A_110], %broadcast_in_dim3A_1 {strides = array<i32>} : memref<100352xf32, #tpu.memory_space<vmem>>, vector<16xf32>,
        %mul3A_112 = arith.constant 8 : i32
        %mul3A_113 = arith.muli %scan3A_56, %mul3A_112 : i32
        %add3A_114 = arith.constant 7 : i32
        %add3A_115 = arith.addi %mul3A_113, %add3A_114 : i32
        %mul3A_116 = arith.constant 16 : i32
        %mul3A_117 = arith.muli %add3A_115, %mul3A_116 : i32
        %swap3A_118 = arith.index_cast %mul3A_117 : i32 to index
        %swap3A_119 = tpu.vector_load %arg9[%swap3A_118] {strides = array<i32>} : memref<100352xf32, #tpu.memory_space<vmem>>, vector<16xf32>,
        tpu.vector_store %arg9[%swap3A_118], %broadcast_in_dim3A_1 {strides = array<i32>} : memref<100352xf32, #tpu.memory_space<vmem>>, vector<16xf32>,
      }
      %scan3A_21 = arith.constant 784 : i32
      %and3A = arith.constant -8 : i32
      %and3A_22 = arith.andi %squeeze3A, %and3A : i32
      %sub3A = arith.subi %squeeze3A_15, %and3A_22 : i32
      %add3A_23 = arith.constant 8192 : i32
      %add3A_24 = arith.addi %sub3A, %add3A_23 : i32
      %sub3A_25 = arith.constant 1 : i32
      %sub3A_26 = arith.subi %add3A_24, %sub3A_25 : i32
      %jit3A = arith.constant 8192 : i32
      %div3A = arith.divsi %sub3A_26, %jit3A : i32
      %sign3A = arith.constant 0 : i32
      %sign3A_27 = arith.cmpi sgt, %sub3A_26, %sign3A : i32
      %sign3A_28 = arith.extui %sign3A_27 : i1 to i32
      %sign3A_29 = arith.constant 0 : i32
      %sign3A_30 = arith.cmpi slt, %sub3A_26, %sign3A_29 : i32
      %sign3A_31 = arith.extui %sign3A_30 : i1 to i32
      %sign3A_32 = arith.subi %sign3A_28, %sign3A_31 : i32
      %sign3A_33 = arith.constant 0 : i32
      %sign3A_34 = arith.cmpi sgt, %jit3A, %sign3A_33 : i32
      %sign3A_35 = arith.extui %sign3A_34 : i1 to i32
      %sign3A_36 = arith.constant 0 : i32
      %sign3A_37 = arith.cmpi slt, %jit3A, %sign3A_36 : i32
      %sign3A_38 = arith.extui %sign3A_37 : i1 to i32
      %sign3A_39 = arith.subi %sign3A_35, %sign3A_38 : i32
      %ne3A = arith.cmpi ne, %sign3A_32, %sign3A_39 : i32
      %rem3A = arith.remsi %sub3A_26, %jit3A : i32
      %ne3A_40 = arith.constant 0 : i32
      %ne3A_41 = arith.cmpi ne, %rem3A, %ne3A_40 : i32
      %and3A_42 = arith.andi %ne3A, %ne3A_41 : i1
      %sub3A_43 = arith.constant 1 : i32
      %sub3A_44 = arith.subi %div3A, %sub3A_43 : i32
      %select_n3A = arith.select %and3A_42, %sub3A_44, %div3A : i32
      %while3A = arith.constant 0 : i32
      %while3A_45 = arith.constant 0 : i32
      %while3A_46 = arith.subi %select_n3A, %while3A_45 : i32
      %while3A_47 = arith.addi %while3A_45, %while3A_46 : i32
      %while3A_48 = arith.constant 1 : i32
      %while3A_49 = arith.divsi %while3A_46, %while3A_48 : i32
      %while3A_50 = arith.muli %while3A_49, %while3A_48 : i32
      %while3A_51 = arith.addi %while3A_45, %while3A_50 : i32
      %while3A_52 = arith.constant 1 : i32
      scf.for %while3A_56 = %while3A_45 to %while3A_51 step %while3A_52  : i32 {
        %mul3A_57 = arith.constant 8192 : i32
        %mul3A_58 = arith.muli %while3A_56, %mul3A_57 : i32
        %add3A_59 = arith.addi %and3A_22, %mul3A_58 : i32
        %min3A = arith.constant 3203056 : i32
        %min3A_60 = arith.minsi %add3A_59, %min3A : i32
        %multiple_of3A = tpu.assume_multiple %min3A_60, 8 : i32
        "tpu.region"() ({
          %run_scoped3A = tpu.sem_alloc : memref<!tpu.dma_semaphore, #tpu.memory_space<semaphore_mem>>
          %dma_start3A = tpu.memref_slice %arg2[%multiple_of3A] : memref<3211272xi32, #tpu.memory_space<hbm>> -> memref<8216xi32, #tpu.memory_space<hbm>>
          %dma_start3A_82 = tpu.memref_slice %arg2[%multiple_of3A] : memref<3211272xi32, #tpu.memory_space<hbm>> -> memref<8216xi32, #tpu.memory_space<hbm>>
          tpu.enqueue_dma source(%dma_start3A_82 : memref<8216xi32, #tpu.memory_space<hbm>>) target(%arg7 : memref<8216xi32, #tpu.memory_space<vmem>>) target_semaphore(%run_scoped3A : memref<!tpu.dma_semaphore, #tpu.memory_space<semaphore_mem>>)
          %dma_wait3A = tpu.memref_slice %arg2[%multiple_of3A] : memref<3211272xi32, #tpu.memory_space<hbm>> -> memref<8216xi32, #tpu.memory_space<hbm>>
          %dma_wait3A_83 = tpu.memref_slice %arg2[%multiple_of3A] : memref<3211272xi32, #tpu.memory_space<hbm>> -> memref<8216xi32, #tpu.memory_space<hbm>>
          tpu.wait_dma2 semaphore(%run_scoped3A : memref<!tpu.dma_semaphore, #tpu.memory_space<semaphore_mem>>) src(%dma_wait3A_83 : memref<8216xi32, #tpu.memory_space<hbm>>) dst(%arg7 : memref<8216xi32, #tpu.memory_space<vmem>>)
          tpu.yield
        }) : () -> ()
        "tpu.region"() ({
          %run_scoped3A = tpu.sem_alloc : memref<!tpu.dma_semaphore, #tpu.memory_space<semaphore_mem>>
          %dma_start3A = tpu.memref_slice %arg3[%multiple_of3A] : memref<3211264xf32, #tpu.memory_space<hbm>> -> memref<8208xf32, #tpu.memory_space<hbm>>
          %dma_start3A_82 = tpu.memref_slice %arg3[%multiple_of3A] : memref<3211264xf32, #tpu.memory_space<hbm>> -> memref<8208xf32, #tpu.memory_space<hbm>>
          tpu.enqueue_dma source(%dma_start3A_82 : memref<8208xf32, #tpu.memory_space<hbm>>) target(%arg8 : memref<8208xf32, #tpu.memory_space<vmem>>) target_semaphore(%run_scoped3A : memref<!tpu.dma_semaphore, #tpu.memory_space<semaphore_mem>>)
          %dma_wait3A = tpu.memref_slice %arg3[%multiple_of3A] : memref<3211264xf32, #tpu.memory_space<hbm>> -> memref<8208xf32, #tpu.memory_space<hbm>>
          %dma_wait3A_83 = tpu.memref_slice %arg3[%multiple_of3A] : memref<3211264xf32, #tpu.memory_space<hbm>> -> memref<8208xf32, #tpu.memory_space<hbm>>
          tpu.wait_dma2 semaphore(%run_scoped3A : memref<!tpu.dma_semaphore, #tpu.memory_space<semaphore_mem>>) src(%dma_wait3A_83 : memref<8208xf32, #tpu.memory_space<hbm>>) dst(%arg8 : memref<8208xf32, #tpu.memory_space<vmem>>)
          tpu.yield
        }) : () -> ()
        %scan3A_61 = arith.constant 0 : i32
        %scan3A_62 = arith.constant 0 : i32
        %scan3A_63 = arith.constant 128 : i32
        %scan3A_64 = arith.addi %scan3A_62, %scan3A_63 : i32
        %scan3A_65 = arith.constant 1 : i32
        scf.for %scan3A_82 = %scan3A_62 to %scan3A_64 step %scan3A_65  : i32 {
          %mul3A_83 = arith.constant 4 : i32
          %mul3A_84 = arith.muli %scan3A_82, %mul3A_83 : i32
          %add3A_85 = arith.constant 0 : i32
          %add3A_86 = arith.addi %mul3A_84, %add3A_85 : i32
          %mul3A_87 = arith.constant 16 : i32
          %mul3A_88 = arith.muli %add3A_86, %mul3A_87 : i32
          %get3A_89 = arith.index_cast %mul3A_88 : i32 to index
          %get3A_90 = tpu.vector_load %arg7[%get3A_89] {strides = array<i32>} : memref<8216xi32, #tpu.memory_space<vmem>>, vector<16xi32>,
          %add3A_91 = arith.constant 1 : i32
          %add3A_92 = arith.addi %mul3A_88, %add3A_91 : i32
          %get3A_93 = arith.index_cast %add3A_92 : i32 to index
          %get3A_94 = tpu.vector_load %arg7[%get3A_93] {strides = array<i32>} : memref<8216xi32, #tpu.memory_space<vmem>>, vector<16xi32>,
          %get3A_95 = arith.index_cast %mul3A_88 : i32 to index
          %get3A_96 = tpu.vector_load %arg8[%get3A_95] {strides = array<i32>} : memref<8208xf32, #tpu.memory_space<vmem>>, vector<16xf32>,
          %ge3A_97 = vector.broadcast %mul3A_12 : i32 to vector<16xi32>
          %ge3A_98 = arith.cmpi sge, %get3A_90, %ge3A_97 : vector<16xi32>
          %add3A_99 = arith.constant 100352 : i32
          %add3A_100 = arith.addi %mul3A_12, %add3A_99 : i32
          %lt3A_101 = vector.broadcast %add3A_100 : i32 to vector<16xi32>
          %lt3A_102 = arith.cmpi slt, %get3A_90, %lt3A_101 : vector<16xi32>
          %and3A_103 = arith.andi %ge3A_98, %lt3A_102 : vector<16xi1>
          %ne3A_104 = arith.cmpi ne, %get3A_90, %get3A_94 : vector<16xi32>
          %and3A_105 = arith.andi %and3A_103, %ne3A_104 : vector<16xi1>
          %sub3A_106 = vector.broadcast %mul3A_12 : i32 to vector<16xi32>
          %sub3A_107 = arith.subi %get3A_90, %sub3A_106 : vector<16xi32>
          tpu.vector_store_idx %arg9[%sub3A_107], %get3A_96 masked %and3A_105 : memref<100352xf32, #tpu.memory_space<vmem>>[vector<16xi32>], vector<16xf32>, vector<16xi1>
          %mul3A_108 = arith.constant 4 : i32
          %mul3A_109 = arith.muli %scan3A_82, %mul3A_108 : i32
          %add3A_110 = arith.constant 1 : i32
          %add3A_111 = arith.addi %mul3A_109, %add3A_110 : i32
          %mul3A_112 = arith.constant 16 : i32
          %mul3A_113 = arith.muli %add3A_111, %mul3A_112 : i32
          %get3A_114 = arith.index_cast %mul3A_113 : i32 to index
          %get3A_115 = tpu.vector_load %arg7[%get3A_114] {strides = array<i32>} : memref<8216xi32, #tpu.memory_space<vmem>>, vector<16xi32>,
          %add3A_116 = arith.constant 1 : i32
          %add3A_117 = arith.addi %mul3A_113, %add3A_116 : i32
          %get3A_118 = arith.index_cast %add3A_117 : i32 to index
          %get3A_119 = tpu.vector_load %arg7[%get3A_118] {strides = array<i32>} : memref<8216xi32, #tpu.memory_space<vmem>>, vector<16xi32>,
          %get3A_120 = arith.index_cast %mul3A_113 : i32 to index
          %get3A_121 = tpu.vector_load %arg8[%get3A_120] {strides = array<i32>} : memref<8208xf32, #tpu.memory_space<vmem>>, vector<16xf32>,
          %ge3A_122 = vector.broadcast %mul3A_12 : i32 to vector<16xi32>
          %ge3A_123 = arith.cmpi sge, %get3A_115, %ge3A_122 : vector<16xi32>
          %add3A_124 = arith.constant 100352 : i32
          %add3A_125 = arith.addi %mul3A_12, %add3A_124 : i32
          %lt3A_126 = vector.broadcast %add3A_125 : i32 to vector<16xi32>
          %lt3A_127 = arith.cmpi slt, %get3A_115, %lt3A_126 : vector<16xi32>
          %and3A_128 = arith.andi %ge3A_123, %lt3A_127 : vector<16xi1>
          %ne3A_129 = arith.cmpi ne, %get3A_115, %get3A_119 : vector<16xi32>
          %and3A_130 = arith.andi %and3A_128, %ne3A_129 : vector<16xi1>
          %sub3A_131 = vector.broadcast %mul3A_12 : i32 to vector<16xi32>
          %sub3A_132 = arith.subi %get3A_115, %sub3A_131 : vector<16xi32>
          tpu.vector_store_idx %arg9[%sub3A_132], %get3A_121 masked %and3A_130 : memref<100352xf32, #tpu.memory_space<vmem>>[vector<16xi32>], vector<16xf32>, vector<16xi1>
          %mul3A_133 = arith.constant 4 : i32
          %mul3A_134 = arith.muli %scan3A_82, %mul3A_133 : i32
          %add3A_135 = arith.constant 2 : i32
          %add3A_136 = arith.addi %mul3A_134, %add3A_135 : i32
          %mul3A_137 = arith.constant 16 : i32
          %mul3A_138 = arith.muli %add3A_136, %mul3A_137 : i32
          %get3A_139 = arith.index_cast %mul3A_138 : i32 to index
          %get3A_140 = tpu.vector_load %arg7[%get3A_139] {strides = array<i32>} : memref<8216xi32, #tpu.memory_space<vmem>>, vector<16xi32>,
          %add3A_141 = arith.constant 1 : i32
          %add3A_142 = arith.addi %mul3A_138, %add3A_141 : i32
          %get3A_143 = arith.index_cast %add3A_142 : i32 to index
          %get3A_144 = tpu.vector_load %arg7[%get3A_143] {strides = array<i32>} : memref<8216xi32, #tpu.memory_space<vmem>>, vector<16xi32>,
          %get3A_145 = arith.index_cast %mul3A_138 : i32 to index
          %get3A_146 = tpu.vector_load %arg8[%get3A_145] {strides = array<i32>} : memref<8208xf32, #tpu.memory_space<vmem>>, vector<16xf32>,
          %ge3A_147 = vector.broadcast %mul3A_12 : i32 to vector<16xi32>
          %ge3A_148 = arith.cmpi sge, %get3A_140, %ge3A_147 : vector<16xi32>
          %add3A_149 = arith.constant 100352 : i32
          %add3A_150 = arith.addi %mul3A_12, %add3A_149 : i32
          %lt3A_151 = vector.broadcast %add3A_150 : i32 to vector<16xi32>
          %lt3A_152 = arith.cmpi slt, %get3A_140, %lt3A_151 : vector<16xi32>
          %and3A_153 = arith.andi %ge3A_148, %lt3A_152 : vector<16xi1>
          %ne3A_154 = arith.cmpi ne, %get3A_140, %get3A_144 : vector<16xi32>
          %and3A_155 = arith.andi %and3A_153, %ne3A_154 : vector<16xi1>
          %sub3A_156 = vector.broadcast %mul3A_12 : i32 to vector<16xi32>
          %sub3A_157 = arith.subi %get3A_140, %sub3A_156 : vector<16xi32>
          tpu.vector_store_idx %arg9[%sub3A_157], %get3A_146 masked %and3A_155 : memref<100352xf32, #tpu.memory_space<vmem>>[vector<16xi32>], vector<16xf32>, vector<16xi1>
          %mul3A_158 = arith.constant 4 : i32
          %mul3A_159 = arith.muli %scan3A_82, %mul3A_158 : i32
          %add3A_160 = arith.constant 3 : i32
          %add3A_161 = arith.addi %mul3A_159, %add3A_160 : i32
          %mul3A_162 = arith.constant 16 : i32
          %mul3A_163 = arith.muli %add3A_161, %mul3A_162 : i32
          %get3A_164 = arith.index_cast %mul3A_163 : i32 to index
          %get3A_165 = tpu.vector_load %arg7[%get3A_164] {strides = array<i32>} : memref<8216xi32, #tpu.memory_space<vmem>>, vector<16xi32>,
          %add3A_166 = arith.constant 1 : i32
          %add3A_167 = arith.addi %mul3A_163, %add3A_166 : i32
          %get3A_168 = arith.index_cast %add3A_167 : i32 to index
          %get3A_169 = tpu.vector_load %arg7[%get3A_168] {strides = array<i32>} : memref<8216xi32, #tpu.memory_space<vmem>>, vector<16xi32>,
          %get3A_170 = arith.index_cast %mul3A_163 : i32 to index
          %get3A_171 = tpu.vector_load %arg8[%get3A_170] {strides = array<i32>} : memref<8208xf32, #tpu.memory_space<vmem>>, vector<16xf32>,
          %ge3A_172 = vector.broadcast %mul3A_12 : i32 to vector<16xi32>
          %ge3A_173 = arith.cmpi sge, %get3A_165, %ge3A_172 : vector<16xi32>
          %add3A_174 = arith.constant 100352 : i32
          %add3A_175 = arith.addi %mul3A_12, %add3A_174 : i32
          %lt3A_176 = vector.broadcast %add3A_175 : i32 to vector<16xi32>
          %lt3A_177 = arith.cmpi slt, %get3A_165, %lt3A_176 : vector<16xi32>
          %and3A_178 = arith.andi %ge3A_173, %lt3A_177 : vector<16xi1>
          %ne3A_179 = arith.cmpi ne, %get3A_165, %get3A_169 : vector<16xi32>
          %and3A_180 = arith.andi %and3A_178, %ne3A_179 : vector<16xi1>
          %sub3A_181 = vector.broadcast %mul3A_12 : i32 to vector<16xi32>
          %sub3A_182 = arith.subi %get3A_165, %sub3A_181 : vector<16xi32>
          tpu.vector_store_idx %arg9[%sub3A_182], %get3A_171 masked %and3A_180 : memref<100352xf32, #tpu.memory_space<vmem>>[vector<16xi32>], vector<16xf32>, vector<16xi1>
        }
        %scan3A_66 = arith.constant 128 : i32
        %get3A_67 = arith.constant 8192 : index
        %get3A_68 = tpu.vector_load %arg7[%get3A_67] {strides = array<i32>} : memref<8216xi32, #tpu.memory_space<vmem>>, vector<16xi32>,
        %get3A_69 = arith.constant 8193 : index
        %get3A_70 = tpu.vector_load %arg7[%get3A_69] {strides = array<i32>} : memref<8216xi32, #tpu.memory_space<vmem>>, vector<16xi32>,
        %get3A_71 = arith.constant 8192 : index
        %get3A_72 = tpu.vector_load %arg8[%get3A_71] {strides = array<i32>} : memref<8208xf32, #tpu.memory_space<vmem>>, vector<16xf32>,
        %ge3A = vector.broadcast %mul3A_12 : i32 to vector<16xi32>
        %ge3A_73 = arith.cmpi sge, %get3A_68, %ge3A : vector<16xi32>
        %add3A_74 = arith.constant 100352 : i32
        %add3A_75 = arith.addi %mul3A_12, %add3A_74 : i32
        %lt3A = vector.broadcast %add3A_75 : i32 to vector<16xi32>
        %lt3A_76 = arith.cmpi slt, %get3A_68, %lt3A : vector<16xi32>
        %and3A_77 = arith.andi %ge3A_73, %lt3A_76 : vector<16xi1>
        %ne3A_78 = arith.cmpi ne, %get3A_68, %get3A_70 : vector<16xi32>
        %and3A_79 = arith.andi %and3A_77, %ne3A_78 : vector<16xi1>
        %sub3A_80 = vector.broadcast %mul3A_12 : i32 to vector<16xi32>
        %sub3A_81 = arith.subi %get3A_68, %sub3A_80 : vector<16xi32>
        tpu.vector_store_idx %arg9[%sub3A_81], %get3A_72 masked %and3A_79 : memref<100352xf32, #tpu.memory_space<vmem>>[vector<16xi32>], vector<16xf32>, vector<16xi1>
      }
      %while3A_53 = arith.constant 1 : i32
      scf.for %while3A_56 = %while3A_51 to %while3A_47 step %while3A_53  : i32 {
        %mul3A_57 = arith.constant 8192 : i32
        %mul3A_58 = arith.muli %while3A_56, %mul3A_57 : i32
        %add3A_59 = arith.addi %and3A_22, %mul3A_58 : i32
        %min3A = arith.constant 3203056 : i32
        %min3A_60 = arith.minsi %add3A_59, %min3A : i32
        %multiple_of3A = tpu.assume_multiple %min3A_60, 8 : i32
        "tpu.region"() ({
          %run_scoped3A = tpu.sem_alloc : memref<!tpu.dma_semaphore, #tpu.memory_space<semaphore_mem>>
          %dma_start3A = tpu.memref_slice %arg2[%multiple_of3A] : memref<3211272xi32, #tpu.memory_space<hbm>> -> memref<8216xi32, #tpu.memory_space<hbm>>
          %dma_start3A_82 = tpu.memref_slice %arg2[%multiple_of3A] : memref<3211272xi32, #tpu.memory_space<hbm>> -> memref<8216xi32, #tpu.memory_space<hbm>>
          tpu.enqueue_dma source(%dma_start3A_82 : memref<8216xi32, #tpu.memory_space<hbm>>) target(%arg7 : memref<8216xi32, #tpu.memory_space<vmem>>) target_semaphore(%run_scoped3A : memref<!tpu.dma_semaphore, #tpu.memory_space<semaphore_mem>>)
          %dma_wait3A = tpu.memref_slice %arg2[%multiple_of3A] : memref<3211272xi32, #tpu.memory_space<hbm>> -> memref<8216xi32, #tpu.memory_space<hbm>>
          %dma_wait3A_83 = tpu.memref_slice %arg2[%multiple_of3A] : memref<3211272xi32, #tpu.memory_space<hbm>> -> memref<8216xi32, #tpu.memory_space<hbm>>
          tpu.wait_dma2 semaphore(%run_scoped3A : memref<!tpu.dma_semaphore, #tpu.memory_space<semaphore_mem>>) src(%dma_wait3A_83 : memref<8216xi32, #tpu.memory_space<hbm>>) dst(%arg7 : memref<8216xi32, #tpu.memory_space<vmem>>)
          tpu.yield
        }) : () -> ()
        "tpu.region"() ({
          %run_scoped3A = tpu.sem_alloc : memref<!tpu.dma_semaphore, #tpu.memory_space<semaphore_mem>>
          %dma_start3A = tpu.memref_slice %arg3[%multiple_of3A] : memref<3211264xf32, #tpu.memory_space<hbm>> -> memref<8208xf32, #tpu.memory_space<hbm>>
          %dma_start3A_82 = tpu.memref_slice %arg3[%multiple_of3A] : memref<3211264xf32, #tpu.memory_space<hbm>> -> memref<8208xf32, #tpu.memory_space<hbm>>
          tpu.enqueue_dma source(%dma_start3A_82 : memref<8208xf32, #tpu.memory_space<hbm>>) target(%arg8 : memref<8208xf32, #tpu.memory_space<vmem>>) target_semaphore(%run_scoped3A : memref<!tpu.dma_semaphore, #tpu.memory_space<semaphore_mem>>)
          %dma_wait3A = tpu.memref_slice %arg3[%multiple_of3A] : memref<3211264xf32, #tpu.memory_space<hbm>> -> memref<8208xf32, #tpu.memory_space<hbm>>
          %dma_wait3A_83 = tpu.memref_slice %arg3[%multiple_of3A] : memref<3211264xf32, #tpu.memory_space<hbm>> -> memref<8208xf32, #tpu.memory_space<hbm>>
          tpu.wait_dma2 semaphore(%run_scoped3A : memref<!tpu.dma_semaphore, #tpu.memory_space<semaphore_mem>>) src(%dma_wait3A_83 : memref<8208xf32, #tpu.memory_space<hbm>>) dst(%arg8 : memref<8208xf32, #tpu.memory_space<vmem>>)
          tpu.yield
        }) : () -> ()
        %scan3A_61 = arith.constant 0 : i32
        %scan3A_62 = arith.constant 0 : i32
        %scan3A_63 = arith.constant 128 : i32
        %scan3A_64 = arith.addi %scan3A_62, %scan3A_63 : i32
        %scan3A_65 = arith.constant 1 : i32
        scf.for %scan3A_82 = %scan3A_62 to %scan3A_64 step %scan3A_65  : i32 {
          %mul3A_83 = arith.constant 4 : i32
          %mul3A_84 = arith.muli %scan3A_82, %mul3A_83 : i32
          %add3A_85 = arith.constant 0 : i32
          %add3A_86 = arith.addi %mul3A_84, %add3A_85 : i32
          %mul3A_87 = arith.constant 16 : i32
          %mul3A_88 = arith.muli %add3A_86, %mul3A_87 : i32
          %get3A_89 = arith.index_cast %mul3A_88 : i32 to index
          %get3A_90 = tpu.vector_load %arg7[%get3A_89] {strides = array<i32>} : memref<8216xi32, #tpu.memory_space<vmem>>, vector<16xi32>,
          %add3A_91 = arith.constant 1 : i32
          %add3A_92 = arith.addi %mul3A_88, %add3A_91 : i32
          %get3A_93 = arith.index_cast %add3A_92 : i32 to index
          %get3A_94 = tpu.vector_load %arg7[%get3A_93] {strides = array<i32>} : memref<8216xi32, #tpu.memory_space<vmem>>, vector<16xi32>,
          %get3A_95 = arith.index_cast %mul3A_88 : i32 to index
          %get3A_96 = tpu.vector_load %arg8[%get3A_95] {strides = array<i32>} : memref<8208xf32, #tpu.memory_space<vmem>>, vector<16xf32>,
          %ge3A_97 = vector.broadcast %mul3A_12 : i32 to vector<16xi32>
          %ge3A_98 = arith.cmpi sge, %get3A_90, %ge3A_97 : vector<16xi32>
          %add3A_99 = arith.constant 100352 : i32
          %add3A_100 = arith.addi %mul3A_12, %add3A_99 : i32
          %lt3A_101 = vector.broadcast %add3A_100 : i32 to vector<16xi32>
          %lt3A_102 = arith.cmpi slt, %get3A_90, %lt3A_101 : vector<16xi32>
          %and3A_103 = arith.andi %ge3A_98, %lt3A_102 : vector<16xi1>
          %ne3A_104 = arith.cmpi ne, %get3A_90, %get3A_94 : vector<16xi32>
          %and3A_105 = arith.andi %and3A_103, %ne3A_104 : vector<16xi1>
          %sub3A_106 = vector.broadcast %mul3A_12 : i32 to vector<16xi32>
          %sub3A_107 = arith.subi %get3A_90, %sub3A_106 : vector<16xi32>
          tpu.vector_store_idx %arg9[%sub3A_107], %get3A_96 masked %and3A_105 : memref<100352xf32, #tpu.memory_space<vmem>>[vector<16xi32>], vector<16xf32>, vector<16xi1>
          %mul3A_108 = arith.constant 4 : i32
          %mul3A_109 = arith.muli %scan3A_82, %mul3A_108 : i32
          %add3A_110 = arith.constant 1 : i32
          %add3A_111 = arith.addi %mul3A_109, %add3A_110 : i32
          %mul3A_112 = arith.constant 16 : i32
          %mul3A_113 = arith.muli %add3A_111, %mul3A_112 : i32
          %get3A_114 = arith.index_cast %mul3A_113 : i32 to index
          %get3A_115 = tpu.vector_load %arg7[%get3A_114] {strides = array<i32>} : memref<8216xi32, #tpu.memory_space<vmem>>, vector<16xi32>,
          %add3A_116 = arith.constant 1 : i32
          %add3A_117 = arith.addi %mul3A_113, %add3A_116 : i32
          %get3A_118 = arith.index_cast %add3A_117 : i32 to index
          %get3A_119 = tpu.vector_load %arg7[%get3A_118] {strides = array<i32>} : memref<8216xi32, #tpu.memory_space<vmem>>, vector<16xi32>,
          %get3A_120 = arith.index_cast %mul3A_113 : i32 to index
          %get3A_121 = tpu.vector_load %arg8[%get3A_120] {strides = array<i32>} : memref<8208xf32, #tpu.memory_space<vmem>>, vector<16xf32>,
          %ge3A_122 = vector.broadcast %mul3A_12 : i32 to vector<16xi32>
          %ge3A_123 = arith.cmpi sge, %get3A_115, %ge3A_122 : vector<16xi32>
          %add3A_124 = arith.constant 100352 : i32
          %add3A_125 = arith.addi %mul3A_12, %add3A_124 : i32
          %lt3A_126 = vector.broadcast %add3A_125 : i32 to vector<16xi32>
          %lt3A_127 = arith.cmpi slt, %get3A_115, %lt3A_126 : vector<16xi32>
          %and3A_128 = arith.andi %ge3A_123, %lt3A_127 : vector<16xi1>
          %ne3A_129 = arith.cmpi ne, %get3A_115, %get3A_119 : vector<16xi32>
          %and3A_130 = arith.andi %and3A_128, %ne3A_129 : vector<16xi1>
          %sub3A_131 = vector.broadcast %mul3A_12 : i32 to vector<16xi32>
          %sub3A_132 = arith.subi %get3A_115, %sub3A_131 : vector<16xi32>
          tpu.vector_store_idx %arg9[%sub3A_132], %get3A_121 masked %and3A_130 : memref<100352xf32, #tpu.memory_space<vmem>>[vector<16xi32>], vector<16xf32>, vector<16xi1>
          %mul3A_133 = arith.constant 4 : i32
          %mul3A_134 = arith.muli %scan3A_82, %mul3A_133 : i32
          %add3A_135 = arith.constant 2 : i32
          %add3A_136 = arith.addi %mul3A_134, %add3A_135 : i32
          %mul3A_137 = arith.constant 16 : i32
          %mul3A_138 = arith.muli %add3A_136, %mul3A_137 : i32
          %get3A_139 = arith.index_cast %mul3A_138 : i32 to index
          %get3A_140 = tpu.vector_load %arg7[%get3A_139] {strides = array<i32>} : memref<8216xi32, #tpu.memory_space<vmem>>, vector<16xi32>,
          %add3A_141 = arith.constant 1 : i32
          %add3A_142 = arith.addi %mul3A_138, %add3A_141 : i32
          %get3A_143 = arith.index_cast %add3A_142 : i32 to index
          %get3A_144 = tpu.vector_load %arg7[%get3A_143] {strides = array<i32>} : memref<8216xi32, #tpu.memory_space<vmem>>, vector<16xi32>,
          %get3A_145 = arith.index_cast %mul3A_138 : i32 to index
          %get3A_146 = tpu.vector_load %arg8[%get3A_145] {strides = array<i32>} : memref<8208xf32, #tpu.memory_space<vmem>>, vector<16xf32>,
          %ge3A_147 = vector.broadcast %mul3A_12 : i32 to vector<16xi32>
          %ge3A_148 = arith.cmpi sge, %get3A_140, %ge3A_147 : vector<16xi32>
          %add3A_149 = arith.constant 100352 : i32
          %add3A_150 = arith.addi %mul3A_12, %add3A_149 : i32
          %lt3A_151 = vector.broadcast %add3A_150 : i32 to vector<16xi32>
          %lt3A_152 = arith.cmpi slt, %get3A_140, %lt3A_151 : vector<16xi32>
          %and3A_153 = arith.andi %ge3A_148, %lt3A_152 : vector<16xi1>
          %ne3A_154 = arith.cmpi ne, %get3A_140, %get3A_144 : vector<16xi32>
          %and3A_155 = arith.andi %and3A_153, %ne3A_154 : vector<16xi1>
          %sub3A_156 = vector.broadcast %mul3A_12 : i32 to vector<16xi32>
          %sub3A_157 = arith.subi %get3A_140, %sub3A_156 : vector<16xi32>
          tpu.vector_store_idx %arg9[%sub3A_157], %get3A_146 masked %and3A_155 : memref<100352xf32, #tpu.memory_space<vmem>>[vector<16xi32>], vector<16xf32>, vector<16xi1>
          %mul3A_158 = arith.constant 4 : i32
          %mul3A_159 = arith.muli %scan3A_82, %mul3A_158 : i32
          %add3A_160 = arith.constant 3 : i32
          %add3A_161 = arith.addi %mul3A_159, %add3A_160 : i32
          %mul3A_162 = arith.constant 16 : i32
          %mul3A_163 = arith.muli %add3A_161, %mul3A_162 : i32
          %get3A_164 = arith.index_cast %mul3A_163 : i32 to index
          %get3A_165 = tpu.vector_load %arg7[%get3A_164] {strides = array<i32>} : memref<8216xi32, #tpu.memory_space<vmem>>, vector<16xi32>,
          %add3A_166 = arith.constant 1 : i32
          %add3A_167 = arith.addi %mul3A_163, %add3A_166 : i32
          %get3A_168 = arith.index_cast %add3A_167 : i32 to index
          %get3A_169 = tpu.vector_load %arg7[%get3A_168] {strides = array<i32>} : memref<8216xi32, #tpu.memory_space<vmem>>, vector<16xi32>,
          %get3A_170 = arith.index_cast %mul3A_163 : i32 to index
          %get3A_171 = tpu.vector_load %arg8[%get3A_170] {strides = array<i32>} : memref<8208xf32, #tpu.memory_space<vmem>>, vector<16xf32>,
          %ge3A_172 = vector.broadcast %mul3A_12 : i32 to vector<16xi32>
          %ge3A_173 = arith.cmpi sge, %get3A_165, %ge3A_172 : vector<16xi32>
          %add3A_174 = arith.constant 100352 : i32
          %add3A_175 = arith.addi %mul3A_12, %add3A_174 : i32
          %lt3A_176 = vector.broadcast %add3A_175 : i32 to vector<16xi32>
          %lt3A_177 = arith.cmpi slt, %get3A_165, %lt3A_176 : vector<16xi32>
          %and3A_178 = arith.andi %ge3A_173, %lt3A_177 : vector<16xi1>
          %ne3A_179 = arith.cmpi ne, %get3A_165, %get3A_169 : vector<16xi32>
          %and3A_180 = arith.andi %and3A_178, %ne3A_179 : vector<16xi1>
          %sub3A_181 = vector.broadcast %mul3A_12 : i32 to vector<16xi32>
          %sub3A_182 = arith.subi %get3A_165, %sub3A_181 : vector<16xi32>
          tpu.vector_store_idx %arg9[%sub3A_182], %get3A_171 masked %and3A_180 : memref<100352xf32, #tpu.memory_space<vmem>>[vector<16xi32>], vector<16xf32>, vector<16xi1>
        }
        %scan3A_66 = arith.constant 128 : i32
        %get3A_67 = arith.constant 8192 : index
        %get3A_68 = tpu.vector_load %arg7[%get3A_67] {strides = array<i32>} : memref<8216xi32, #tpu.memory_space<vmem>>, vector<16xi32>,
        %get3A_69 = arith.constant 8193 : index
        %get3A_70 = tpu.vector_load %arg7[%get3A_69] {strides = array<i32>} : memref<8216xi32, #tpu.memory_space<vmem>>, vector<16xi32>,
        %get3A_71 = arith.constant 8192 : index
        %get3A_72 = tpu.vector_load %arg8[%get3A_71] {strides = array<i32>} : memref<8208xf32, #tpu.memory_space<vmem>>, vector<16xf32>,
        %ge3A = vector.broadcast %mul3A_12 : i32 to vector<16xi32>
        %ge3A_73 = arith.cmpi sge, %get3A_68, %ge3A : vector<16xi32>
        %add3A_74 = arith.constant 100352 : i32
        %add3A_75 = arith.addi %mul3A_12, %add3A_74 : i32
        %lt3A = vector.broadcast %add3A_75 : i32 to vector<16xi32>
        %lt3A_76 = arith.cmpi slt, %get3A_68, %lt3A : vector<16xi32>
        %and3A_77 = arith.andi %ge3A_73, %lt3A_76 : vector<16xi1>
        %ne3A_78 = arith.cmpi ne, %get3A_68, %get3A_70 : vector<16xi32>
        %and3A_79 = arith.andi %and3A_77, %ne3A_78 : vector<16xi1>
        %sub3A_80 = vector.broadcast %mul3A_12 : i32 to vector<16xi32>
        %sub3A_81 = arith.subi %get3A_68, %sub3A_80 : vector<16xi32>
        tpu.vector_store_idx %arg9[%sub3A_81], %get3A_72 masked %and3A_79 : memref<100352xf32, #tpu.memory_space<vmem>>[vector<16xi32>], vector<16xf32>, vector<16xi1>
      }
      %mul3A_54 = arith.constant 100352 : i32
      %mul3A_55 = arith.muli %add3A_10, %mul3A_54 : i32
      "tpu.region"() ({
        %run_scoped3A = tpu.sem_alloc : memref<!tpu.dma_semaphore, #tpu.memory_space<semaphore_mem>>
        %dma_start3A = tpu.memref_slice %arg5[%mul3A_55] : memref<25690112xf32, #tpu.memory_space<hbm>> -> memref<100352xf32, #tpu.memory_space<hbm>>
        %dma_start3A_56 = tpu.memref_slice %arg5[%mul3A_55] : memref<25690112xf32, #tpu.memory_space<hbm>> -> memref<100352xf32, #tpu.memory_space<hbm>>
        tpu.enqueue_dma source(%arg9 : memref<100352xf32, #tpu.memory_space<vmem>>) target(%dma_start3A_56 : memref<100352xf32, #tpu.memory_space<hbm>>) target_semaphore(%run_scoped3A : memref<!tpu.dma_semaphore, #tpu.memory_space<semaphore_mem>>)
        %dma_wait3A = tpu.memref_slice %arg5[%mul3A_55] : memref<25690112xf32, #tpu.memory_space<hbm>> -> memref<100352xf32, #tpu.memory_space<hbm>>
        %dma_wait3A_57 = tpu.memref_slice %arg5[%mul3A_55] : memref<25690112xf32, #tpu.memory_space<hbm>> -> memref<100352xf32, #tpu.memory_space<hbm>>
        tpu.wait_dma2 semaphore(%run_scoped3A : memref<!tpu.dma_semaphore, #tpu.memory_space<semaphore_mem>>) src(%arg9 : memref<100352xf32, #tpu.memory_space<vmem>>) dst(%dma_wait3A_57 : memref<100352xf32, #tpu.memory_space<hbm>>)
        tpu.yield
      }) : () -> ()
    }
    %scan3A_6 = arith.constant 8 : i32
    return
  }
}

</mosaic_0001>

<sc_bundles>
// kernel: kernel.3.cloned.1.call-start
scs
__scs_entry_jumppad:
0x0: {  	(pc) =	sbr.rel $0x88, $3  }
0x1: {  	(tag) =	ssettag $0x0;
	lr =	simm.s32 $0x1  }
0x2: {  	[smem:$0x3F9F] =	sst lr;
	_ =	strace $0xD0000000  }
0x3: {  	_ = 	snop  }
0x4: {  	_ = 	snop  }
0x5: {  	_ = 	snop  }
0x6: {  	_ = 	snop  }
0x7: {  	_ = 	snop  }
__scs_overlays_trampoline_lowered:
0x8: {  	[smem:$0x3FAE] =	sst s0  }
0x9: {  	[smem:$0x3FAF] =	sst s1  }
0xa: {  	[smem:$0x3FB0] =	sst s2  }
0xb: {  	[smem:$0x3FB1] =	sst s3  }
0xc: {  	[smem:$0x3FB2] =	sst s4  }
0xd: {  	[smem:$0x3FB3] =	sst s5  }
0xe: {  	[smem:$0x3FB4] =	sst s6  }
0xf: {  	[smem:$0x3FB5] =	sst s7  }
0x10: {  	[smem:$0x3FB6] =	sst s8  }
0x11: {  	[smem:$0x3FB7] =	sst s9;
	s0 =	simm.s32 @!p0 $0x0  }
0x12: {  	s1 =	sld [smem:$0x3F9D];
	s0 =	simm.s32 @p0 $0x1  }
0x13: {  	[smem:$0x3FB8] =	sst s0;
	s0 =	simm.s32 @!p1 $0x0  }
0x14: {  	s2 =	sld [smem:$0x3F9C];
	s0 =	simm.s32 @p1 $0x1  }
0x15: {  	[smem:$0x3FB9] =	sst s0;
	s0 =	simm.s32 @!p2 $0x0  }
0x16: {  	s3 =	sld [smem:$0x3FDB];
	s0 =	simm.s32 @p2 $0x1  }
0x17: {  	s4 =	simm.s32 $0x1BF5;
	[smem:$0x3FBB] =	sst s0  }
0x18: {  	s0 =	sld [smem:$0x3F9E];
	_ =	swait.ge [sflag:s4], $0x0  }
0x19: {  	s7 =	sld [smem:$0x3F9F]  }
0x1a: {  	s8 =	sadd.s32 $0xFFFFE003, lr  }
0x1b: {  	s9 =	sadd.s32 $0xFFFFFEF7, lr;
	s5 =	simm.s32 $0xFFFFFFFF;
	p2 =	slt.u32 s8, $0xFFFFF086  }
0x1c: {  	p1 =	slt.u32 s9, $0xF7A;
	s5 =	simm.s32 @!p2 $0x0  }
0x1d: {  	s5 =	simm.s32 @p1 $0x1;
	p0 =	seq.s32 s7, s2  }
0x1e: {  	s7 =	smul.u32 @!p0 $0xF7A, s2;
	p2 =	seq.s32 @!p0 s5, $0x0  }
0x1f: {  	s9 =	smul.u32 $0xF7A, s1;
	s8 =	simm.s32 @!p0 $0x1BF5;
	p2 =	por !p2, p0  }
0x20: {  	[sflag:s8] =	ssyncset.s32 @!p0 $0xFFFFF086;
	s6 =	sadd.s32 @!p0 s3, s7;
	s7 =	simm.s32 @!p0 $0x108  }
0x21: {  	s3 =	sadd.s32 s3, s9;
	s6 =	sadd.s32 @!p0 $0x88, s6;
	s7 =	simm.s32 @p2 $0x1082  }
0x22: {  	[simem:s7], [sflag:s8] =	dma.local @!p0 [hbm:s6], $0xF7A  }
0x23: {  	s9 =	sor.u32 $0xD0000000, s2;
	s6 =	simm.s32 $0x108;
	_ =	swait.ge @!p0 [sflag:s8], $0x0  }
0x24: {  	s3 =	sadd.s32 $0x88, s3;
	s6 =	simm.s32 @!p1 $0x1082;
	[sflag:s4] =	ssyncset.s32 $0xFFFFF086  }
0x25: {  	[simem:s6], [sflag:s4] =	dma.local [hbm:s3], $0xF7A  }
0x26: {  	[smem:$0x3F9F] =	sst s1;
	(tag) =	ssettag s2;
	_ =	strace s9  }
0x27: {  	s1 =	sld [smem:$0x3FAF]  }
0x28: {  	s2 =	sld [smem:$0x3FB0]  }
0x29: {  	s4 =	sld [smem:$0x3FB2]  }
0x2a: {  	p0 =	seq.s32 s5, $0x0;
	s5 =	sld [smem:$0x3FB3]  }
0x2b: {  	s6 =	sld [smem:$0x3FB4]  }
0x2c: {  	s7 =	sld [smem:$0x3FB5]  }
0x2d: {  	s3 =	simm.s32 $0x108;
	s8 =	sld [smem:$0x3FB6]  }
0x2e: {  	s3 =	simm.s32 @!p0 $0x1082;
	s9 =	sld [smem:$0x3FB7]  }
0x2f: {  	lr =	sadd.s32 s0, s3;
	s0 =	sld [smem:$0x3FAE]  }
0x30: {  	s3 =	sld [smem:$0x3FB1]  }
0x31: {  	[smem:$0x3FBA] =	sst s10  }
0x32: {  	s10 =	sld [smem:$0x3FB8];
	_ =	sdelay $0x3  }
0x33: {  	p0 =	seq.s32 s10, $0x1;
	s10 =	sld [smem:$0x3FBA];
	_ =	sdelay $0x3  }
0x34: {  	[smem:$0x3FBA] =	sst s10  }
0x35: {  	s10 =	sld [smem:$0x3FB9];
	_ =	sdelay $0x3  }
0x36: {  	p1 =	seq.s32 s10, $0x1;
	s10 =	sld [smem:$0x3FBA];
	_ =	sdelay $0x3  }
0x37: {  	[smem:$0x3FBA] =	sst s10  }
0x38: {  	s10 =	sld [smem:$0x3FBB]  }
0x39: {  	_ = 	snop;
	(pc) =	sbr.ind lr, $3  }
0x3a: {  	_ = 	snop  }
0x3b: {  	_ = 	snop  }
0x3c: {  	p2 =	seq.s32 s10, $0x1;
	s10 =	sld [smem:$0x3FBA]  }
0x3d: {  	_ =	shalt  }
0x3e: {  	_ =	shalt  }
0x3f: {  	_ =	shalt  }
0x40: {  	_ =	shalt  }
0x41: {  	_ =	shalt  }
0x42: {  	_ =	shalt  }
0x43: {  	_ =	shalt  }
0x44: {  	_ =	shalt  }
0x45: {  	_ =	shalt  }
0x46: {  	_ =	shalt  }
0x47: {  	_ =	shalt  }
0x48: {  	_ =	shalt  }
0x49: {  	_ =	shalt  }
0x4a: {  	_ =	shalt  }
0x4b: {  	_ =	shalt  }
0x4c: {  	_ =	shalt  }
0x4d: {  	_ =	shalt  }
0x4e: {  	_ =	shalt  }
0x4f: {  	_ =	shalt  }
0x50: {  	_ =	shalt  }
0x51: {  	_ =	shalt  }
0x52: {  	_ =	shalt  }
0x53: {  	_ =	shalt  }
0x54: {  	_ =	shalt  }
0x55: {  	_ =	shalt  }
0x56: {  	_ =	shalt  }
0x57: {  	_ =	shalt  }
0x58: {  	_ =	shalt  }
0x59: {  	_ =	shalt  }
0x5a: {  	_ =	shalt  }
0x5b: {  	_ =	shalt  }
0x5c: {  	_ =	shalt  }
0x5d: {  	_ =	shalt  }
0x5e: {  	_ =	shalt  }
0x5f: {  	_ =	shalt  }
0x60: {  	_ =	shalt  }
0x61: {  	_ =	shalt  }
0x62: {  	_ =	shalt  }
0x63: {  	_ =	shalt  }
0x64: {  	_ =	shalt  }
0x65: {  	_ =	shalt  }
0x66: {  	_ =	shalt  }
0x67: {  	_ =	shalt  }
0x68: {  	_ =	shalt  }
0x69: {  	_ =	shalt  }
0x6a: {  	_ =	shalt  }
0x6b: {  	_ =	shalt  }
0x6c: {  	_ =	shalt  }
0x6d: {  	_ =	shalt  }
0x6e: {  	_ =	shalt  }
0x6f: {  	_ =	shalt  }
0x70: {  	_ =	shalt  }
0x71: {  	_ =	shalt  }
0x72: {  	_ =	shalt  }
0x73: {  	_ =	shalt  }
0x74: {  	_ =	shalt  }
0x75: {  	_ =	shalt  }
0x76: {  	_ =	shalt  }
0x77: {  	_ =	shalt  }
0x78: {  	_ =	shalt  }
0x79: {  	_ =	shalt  }
0x7a: {  	_ =	shalt  }
0x7b: {  	_ =	shalt  }
0x7c: {  	_ =	shalt  }
0x7d: {  	_ =	shalt  }
0x7e: {  	_ =	shalt  }
0x7f: {  	_ =	shalt  }
0x80: {  	_ =	shalt  }
0x81: {  	_ =	shalt  }
0x82: {  	_ =	shalt  }
0x83: {  	_ =	shalt  }
0x84: {  	_ =	shalt  }
0x85: {  	_ =	shalt  }
0x86: {  	_ =	shalt  }
0x87: {  	_ =	shalt  }
.Lfunc_end0:
.L_simem_size_0:
called_computation_lowered:
.L_overlay_start_0:
0x88: {  	s2 =	sld [smem:$0x3FD9]  }
0x89: {  	s3 =	sld [smem:$0x3FFE];
	_ =	sdelay $0x1  }
0x8a: {  	s1 =	srdreg.scid  }
0x8b: {  	s0 =	sand.u32 $0x1, s1  }
0x8c: {  	s17 =	sshll.u32 s0, $0xA;
	s2 =	sadd.s32 s3, s2  }
0x8d: {  	s2 =	sadd.s32 s2, s17  }
0x8e: {  	[smem:$0x3FC6] =	sst s2  }
0x8f: {  	_ = 	snop  }
0x90: {  	s2 =	sld [smem:$0x3FD0];
	(tm) =	ssettm $0x1  }
0x91: {  	s18 =	sld [smem:$0x3FFB];
	_ =	sdelay $0x3  }
0x92: {  	_ =	strace s18  }
0x93: {  	s3 =	sld [smem:$0x3FFC];
	_ =	sdelay $0x3  }
0x94: {  	_ =	strace s3  }
0x95: {  	s3 =	sld [smem:$0x3FFD];
	_ =	sdelay $0x3  }
0x96: {  	_ =	strace s3  }
0x97: {  	_ =	strace $0x8FFFFFFF  }
0x98: {  	s19 =	sld [smem:$0x3FDB];
	_ =	sdelay $0x1  }
0x99: {  	s4 =	simm.s32 $_scs_section_size  }
0x9a: {  	s5 =	simm.s32 $_size__tile_overlayer_lowered;
	s6 =	simm.s32 $_tile_overlayer_lowered  }
0x9b: {  	s22 =	simm.s32 $0x1BFF;
	s21 =	sshll.u32 s6, $0x1;
	s3 =	sadd.s32 s4, s19  }
0x9c: {  	s7 =	simm.s32 $0x0;
	s20 =	sshll.u32 s5, $0x1;
	s5 =	sadd.s32 s21, s3  }
0x9d: {  	[timem:s7], [sflag:s22] =	dma.local [hbm:s5], s20  }
0x9e: {  	_ =	swait.ge [sflag:s22], s20  }
0x9f: {  	s4 =	ssub.s32 $0x0, s20;
	[sflag:s22] =	ssyncset.done $0x0  }
0xa0: {  	[sflag:s22] =	ssyncadd.s32 s4;
	_ =	sdelay $0x1  }
0xa1: {  	s23 =	simm.s32 $0x1B8B  }
0xa2: {  	_ =	swait.ge [sflag:s23], $0x1  }
0xa3: {  	[sflag:s23] =	ssyncset.done $0x0  }
0xa4: {  	s25 =	simm.s32 $0x1B8E;
	s24 =	sld [smem:$0x3FFE];
	[sflag:s23] =	ssyncadd.s32 $0xFFFFFFFF  }
0xa5: {  	s26 =	simm.s32 $execute0_lowered;
	[smem:$0x3FD2] =	sst s25  }
0xa6: {  	s5 =	sshll.u32 s26, $0x1;
	_ =	strace $0x80000046;
	[dreg:$0x1] =	wrdreg $0xFFFFFFFF  }
0xa7: {  	s28 =	simm.s32 $_size_execute0_lowered;
	s3 =	sadd.s32 s3, s5;
	[dreg:$0x0] =	wrdreg $0x0  }
0xa8: {  	s5 =	sshll.u32 s28, $0x1;
	[dreg:$0x2] =	wrdreg s3  }
0xa9: {  	[dreg:$0x3] =	wrdreg s5  }
0xaa: {  	[dreg:$0x4] =	wrdreg $0xC0  }
0xab: {  	_ =	task [dreg:s7], $0x5FFFF  }
0xac: {  	[dreg:$0x1] =	wrdreg $0xFFFFFFFF  }
0xad: {  	[dreg:$0x0] =	wrdreg $0x60  }
0xae: {  	[dreg:$0x2] =	wrdreg s2  }
0xaf: {  	[dreg:$0x3] =	wrdreg s24  }
0xb0: {  	[dreg:$0x4] =	wrdreg $0x9  }
0xb1: {  	_ =	task.clear_ibuf [dreg:s7], $0x5FFFF;
	_ =	strace $0x90000046  }
0xb2: {  	s29 =	simm.s32 $0x9;
	_ =	strace $0x80000048  }
0xb3: {  	_ =	swait.ge [sflag:s29], $0x1  }
0xb4: {  	[sflag:s29] =	ssyncadd.s32 $0xFFFFFFFF  }
0xb5: {  	_ =	strace $0x90000048  }
0xb6: {  	_ =	sfence  }
0xb7: {  	s30 =	sld [smem:$0x0];
	_ =	sdelay $0x2  }
0xb8: {  	s31 =	sshll.u32 s1, $0xD;
	s1 =	sshrl.u32 s1, $0x2  }
0xb9: {  	s3 =	sand.u32 $0x4000, s31;
	s1 =	sadd.s32 s1, s30  }
0xba: {  	s0 =	sor.u32 s3, s0;
	s1 =	sshll.u32 s1, $0x11  }
0xbb: {  	s0 =	sor.u32 s1, s0  }
0xbc: {  	s0 =	sadd.s32 $0x8F2B, s0  }
0xbd: {  	[sflag:s0] =	ssyncadd.remote.s32 $0x1  }
0xbe: {  	_ =	sfence.sel $0xFFFF  }
0xbf: {  	[dreg:$0x0] =	wrdreg $0xFFFFFFFF;
	(pc) =	sbr.abs _section_cstart, $3  }
0xc0: {  	[dreg:$0x1] =	wrdreg $0xFFFFFFFF  }
0xc1: {  	_ =	task.clear_ibuf [dreg:s7], $0x2FFFF;
	_ =	strace $0x9FFFFFFF  }
0xc2: {  	(tm) =	ssettm $0x7FFFFFFF  }
0xc3: {  	_ =	shalt  }
tec
execute0_lowered:
.L_overlay_start_1:
0x0: {  	(tag) =	ssettag $0x1  }
0x1: {  	s1 =	rddreg [dreg:$0x0]  }
0x2: {  	s6 =	rddreg [dreg:$0x1]  }
0x3: {  	s0 =	rddreg [dreg:$0x2];
	s2 =	simm.s32 $0x0  }
0x4: {  	s3 =	srdreg.scid;
	s11 =	simm.s32 $0x2200;
	s12 =	simm.s32 $0x4280  }
0x5: {  	s13 =	simm.s32 $0x0;
	[smem:$0x7FF] =	sst s2;
	s4 =	sadd.s32 $0x62400, s6  }
.Ltmp0:
0x6: {  	s7 =	sand.u32 $0x1, s3;
	s5 =	sadd.s32 $0x200, s6;
	(pc) =	sbr.rel .LBB2_1-.Ltmp0, $4  }
0x7: {  	s3 =	stileid.u32;
	s6 =	sadd.s32 $0xC4400, s6;
	s8 =	ssub.s32 $0x2, s7  }
0x8: {  	s10 =	sshll.u32 s3, $0x4;
	s7 =	sshll.u32 s7, $0x3;
	s9 =	sshrl.u32 s8, $0x1  }
0x9: {  	_ =	strace $0x80000047;
	s7 =	sor.u32 s7, s10;
	s8 =	ssub.s32 s8, s9  }
0xa: {  	v0 =	vimm.f32 $0.0e+00;
	s10 =	simm.s32 $0x180;
	s9 =	simm.s32 $0x1;
	v1 =	vmov s7;
	s8 =	smax.u32 s8, $0x1  }
.LBB2_10:
0xb: {  	s13 =	sadd.s32 $0x1, s13  }
0xc: {  	p0 =	sne.s32 s13, s8  }
.Ltmp1:
0xd: {  	_ = 	snop;
	(pc) =	sbr.rel @!p0 .LBB2_11-.Ltmp1, $1  }
0xe: {  	_ =	sdelay $0x3  }
.LBB2_1:
.Ltmp2:
0xf: {  	(pc) =	sbr.rel .LBB2_2-.Ltmp2, $4  }
0x10: {  	[tilespmem:s2], [sflag:$0x1] =	stream.linear.gather [hbm4b:s5+s2], $0x180, $0x38;
	[tilespmem:$0x1CA80] =	vst v63  }
0x11: {  	_ =	swait.ge [sflag:s9], $0x180  }
0x12: {  	[sflag:s9] =	ssyncset.done $0x0  }
0x13: {  	s14 =	simm.s32 $0x0;
	[sflag:s9] =	ssyncadd.s32 $0xFFFFFE80  }
.LBB2_9:
0x14: {  	s14 =	sadd.s32 $0x1, s14  }
0x15: {  	s15 =	sshrl.u32 s17, $0x3;
	p0 =	sne.s32 s14, $0x8  }
.Ltmp3:
0x16: {  	s15 =	sadd.s32 s6, s15;
	(pc) =	sbr.rel @!p0 .LBB2_10-.Ltmp3, $4  }
0x17: {  	[hbm4b:s15+s2] =	stream.linear.scatter [tilespmem:s12], [sflag:$0x1], $0x18800, $0x38;
	[tilespmem:$0x1CA80] =	vst v63  }
0x18: {  	_ =	swait.ge [sflag:s9], $0x18800  }
0x19: {  	[sflag:s9] =	ssyncset.done $0x0  }
0x1a: {  	[sflag:s9] =	ssyncadd.s32 $0xFFFE7800  }
.LBB2_2:
0x1b: {  	_ =	sdelay $0x3  }
0x1c: {  	s17 =	sadd.s32 s7, s14;
	v2 =	vld.idx.msk [tilespmem:v1+s14+$0x0 ss:$0x1], $0xffff;
	s18 =	simm.s32 $0x0;
	s15 =	simm.s32 $0x200  }
.LBB2_3:
0x1d: {  	p0 =	sne.s32 s15, $0x61E00;
	[tilespmem:s18+$0x42F0] =	vst v0  }
0x1e: {  	[tilespmem:s18+$0x4280] =	vst v0  }
0x1f: {  	[tilespmem:s18+$0x4290] =	vst v0  }
.Ltmp4:
0x20: {  	[tilespmem:s18+$0x42A0] =	vst v0;
	(pc) =	sbr.rel @p0 .LBB2_3-.Ltmp4, $4  }
0x21: {  	[tilespmem:s18+$0x42B0] =	vst v0  }
0x22: {  	[tilespmem:s18+$0x42C0] =	vst v0  }
0x23: {  	[tilespmem:s18+$0x42D0] =	vst v0  }
0x24: {  	[tilespmem:s18+$0x42E0] =	vst v0;
	s18 =	sshra.s32 s15, $0x2;
	s15 =	sadd.s32 $0x200, s15  }
0x25: {  	(v2sf) =	vpush v2, $0x0  }
0x26: {  	(v2sf) =	vpush v2, $0x1;
	_ =	sdelay $0xd  }
0x27: {  	s15 =	spop (v2sf)  }
0x28: {  	s16 =	spop (v2sf);
	s15 =	sand.u32 $0xFFFFFFF8, s15  }
0x29: {  	s16 =	ssub.s32 s16, s15  }
0x2a: {  	s16 =	sadd.s32 $0x1FFF, s16  }
0x2b: {  	s19 =	sand.u32 $0x1FFF, s16  }
0x2c: {  	s31 =	sshra.s32 s16, $0x1F;
	p1 =	slt.s32 s16, $0x1;
	p0 =	sne.s32 s19, $0x0  }
0x2d: {  	s19 =	sshrl.u32 s31, $0x13;
	p0 =	por !p1, !p0  }
0x2e: {  	s16 =	sadd.s32 s19, s16;
	s19 =	simm.s32 $0x1;
	p0 =	por !p0, !p0  }
0x2f: {  	[tilespmem:s18+$0x42F0] =	vst v0;
	s16 =	sshra.s32 s16, $0xD;
	s19 =	simm.s32 @!p0 $0x0  }
0x30: {  	[tilespmem:s18+$0x4280] =	vst v0;
	s16 =	ssub.s32 s16, s19  }
0x31: {  	[tilespmem:s18+$0x4290] =	vst v0;
	p0 =	slt.s32 s16, $0x1  }
.Ltmp5:
0x32: {  	[tilespmem:s18+$0x42A0] =	vst v0;
	(pc) =	sbr.rel @p0 .LBB2_9-.Ltmp5, $4  }
0x33: {  	[tilespmem:s18+$0x42B0] =	vst v0  }
0x34: {  	[tilespmem:s18+$0x42C0] =	vst v0  }
0x35: {  	[tilespmem:s18+$0x42D0] =	vst v0  }
0x36: {  	[tilespmem:s18+$0x42E0] =	vst v0;
	s17 =	smul.u32 $0x18800, s17  }
0x37: {  	_ = 	snop  }
0x38: {  	s18 =	sadd.s32 $0x18800, s17  }
0x39: {  	s19 =	simm.s32 $0x0;
	v2 =	vmov s17;
	v3 =	vmov s18;
	s18 =	simm.s32 $0x0  }
.LBB2_6:
0x3a: {  	s20 =	sshll.u32 s19, $0xD  }
0x3b: {  	s20 =	sadd.s32 s15, s20  }
0x3c: {  	p0 =	slt.s32 s20, $0x30DFF0  }
0x3d: {  	s20 =	simm.s32 @!p0 $0x30DFF0  }
0x3e: {  	s20 =	sshrl.u32 s20, $0x3  }
0x3f: {  	s21 =	sadd.s32 s1, s20  }
0x40: {  	[tilespmem:s10], [sflag:$0x1] =	stream.linear.gather [hbm4b:s21+s18], $0x2018, $0x38;
	[tilespmem:$0x1CA80] =	vst v63  }
0x41: {  	_ =	swait.ge [sflag:s9], $0x2018  }
0x42: {  	[sflag:s9] =	ssyncset.done $0x0  }
0x43: {  	s20 =	sadd.s32 s4, s20;
	[sflag:s9] =	ssyncadd.s32 $0xFFFFDFE8  }
0x44: {  	[tilespmem:s11], [sflag:$0x1] =	stream.linear.gather [hbm4b:s20+s18], $0x2010, $0x38;
	[tilespmem:$0x1CA80] =	vst v63  }
0x45: {  	_ =	swait.ge [sflag:s9], $0x2010  }
0x46: {  	[sflag:s9] =	ssyncset.done $0x0  }
0x47: {  	s20 =	simm.s32 $0x0;
	[sflag:s9] =	ssyncadd.s32 $0xFFFFDFF0  }
.LBB2_7:
0x48: {  	s21 =	sshra.s32 s20, $0x2  }
0x49: {  	v4 =	vld [tilespmem:s21+$0x180]  }
0x4a: {  	v5 =	vld [tilespmem:s21+$0x181];
	_ =	sdelay $0x3  }
0x4b: {  	vm0 =	vge.s32 v4, v2;
	vm1 =	vlt.s32 v4, v3  }
0x4c: {  	vm6 =	vne.s32 v4, v5;
	v5 =	vsub.s32 v4, v2;
	vm0 =	vmand vm0, vm1  }
0x4d: {  	v4 =	vand.u32 $0x7F, v4;
	v5 =	vand.u32 $0xFFFFFF80, v5;
	vm0 =	vmand vm0, vm6  }
0x4e: {  	v6 =	vld [tilespmem:s21+$0x2200];
	v4 =	vor.u32 v4, v5;
	_ =	sdelay $0x4  }
0x4f: {  	[tilespmem:v4+s12+$0x0] =	vst.idx.msk vm0, v6  }
0x50: {  	v4 =	vld [tilespmem:s21+$0x190]  }
0x51: {  	v5 =	vld [tilespmem:s21+$0x191];
	_ =	sdelay $0x3  }
0x52: {  	vm7 =	vge.s32 v4, v2;
	vm8 =	vlt.s32 v4, v3  }
0x53: {  	vm9 =	vne.s32 v4, v5;
	v5 =	vsub.s32 v4, v2;
	vm0 =	vmand vm7, vm8  }
0x54: {  	v4 =	vand.u32 $0x7F, v4;
	v5 =	vand.u32 $0xFFFFFF80, v5;
	vm0 =	vmand vm0, vm9  }
0x55: {  	v6 =	vld [tilespmem:s21+$0x2210];
	v4 =	vor.u32 v4, v5;
	_ =	sdelay $0x4  }
0x56: {  	[tilespmem:v4+s12+$0x0] =	vst.idx.msk vm0, v6  }
0x57: {  	v4 =	vld [tilespmem:s21+$0x1A0]  }
0x58: {  	v5 =	vld [tilespmem:s21+$0x1A1];
	_ =	sdelay $0x3  }
0x59: {  	vm10 =	vge.s32 v4, v2;
	vm11 =	vlt.s32 v4, v3  }
0x5a: {  	vm12 =	vne.s32 v4, v5;
	v5 =	vsub.s32 v4, v2;
	vm0 =	vmand vm10, vm11  }
0x5b: {  	v4 =	vand.u32 $0x7F, v4;
	v5 =	vand.u32 $0xFFFFFF80, v5;
	vm0 =	vmand vm0, vm12  }
0x5c: {  	v6 =	vld [tilespmem:s21+$0x2220];
	v4 =	vor.u32 v4, v5;
	_ =	sdelay $0x4  }
0x5d: {  	[tilespmem:v4+s12+$0x0] =	vst.idx.msk vm0, v6  }
0x5e: {  	v4 =	vld [tilespmem:s21+$0x1B0]  }
0x5f: {  	v5 =	vld [tilespmem:s21+$0x1B1];
	_ =	sdelay $0x3  }
0x60: {  	vm13 =	vge.s32 v4, v2;
	vm14 =	vlt.s32 v4, v3  }
0x61: {  	vm15 =	vne.s32 v4, v5;
	v5 =	vsub.s32 v4, v2;
	vm0 =	vmand vm13, vm14  }
0x62: {  	v4 =	vand.u32 $0x7F, v4;
	v5 =	vand.u32 $0xFFFFFF80, v5;
	vm0 =	vmand vm0, vm15  }
0x63: {  	p0 =	sne.s32 s20, $0x7F00;
	v6 =	vld [tilespmem:s21+$0x2230];
	v4 =	vor.u32 v4, v5  }
.Ltmp6:
0x64: {  	_ = 	snop;
	(pc) =	sbr.rel @p0 .LBB2_7-.Ltmp6, $2  }
0x65: {  	_ =	sdelay $0x2  }
0x66: {  	s20 =	sadd.s32 $0x100, s20;
	[tilespmem:v4+s12+$0x0] =	vst.idx.msk vm0, v6  }
0x67: {  	v4 =	vld [tilespmem:$0x2180]  }
0x68: {  	v5 =	vld [tilespmem:$0x2181];
	_ =	sdelay $0x3  }
0x69: {  	vm0 =	vge.s32 v4, v2;
	vm1 =	vlt.s32 v4, v3  }
0x6a: {  	vm15 =	vne.s32 v4, v5;
	v5 =	vsub.s32 v4, v2;
	vm0 =	vmand vm0, vm1  }
0x6b: {  	s19 =	sadd.s32 $0x1, s19;
	v4 =	vand.u32 $0x7F, v4;
	v5 =	vand.u32 $0xFFFFFF80, v5;
	vm0 =	vmand vm0, vm15  }
0x6c: {  	v6 =	vld [tilespmem:$0x4200];
	p0 =	sne.s32 s19, s16;
	v4 =	vor.u32 v4, v5  }
.Ltmp7:
0x6d: {  	_ = 	snop;
	(pc) =	sbr.rel @p0 .LBB2_6-.Ltmp7, $4  }
.Ltmp8:
0x6e: {  	_ = 	snop;
	(pc) =	sbr.rel @!p0 .LBB2_9-.Ltmp8, $4  }
0x6f: {  	_ = 	snop  }
0x70: {  	_ = 	snop  }
0x71: {  	[tilespmem:v4+s12+$0x0] =	vst.idx.msk vm0, v6  }
0x72: {  	_ = 	snop  }
.LBB2_11:
0x73: {  	_ =	sfence.sel $0x180000  }
0x74: {  	[bflag:$0x0] =	sbarrier.arrive $0xFFFF  }
0x75: {  	p0 =	sne.s32 s3, $0x0;
	_ =	strace $0x90000047  }
0x76: {  	s0 =	sadd.s32 @!p0 $0x100000, s0;
	[bflag:$0x2] =	sbarrier.arrive $0xFFFF  }
0x77: {  	[sflag:s0] =	ssyncadd.tile.s32 @!p0 $0x1;
	_ =	shalt  }
.Lfunc_end2:
_tile_overlayer_lowered:
.L_overlay_start_2:
0x78: {  	(tag) =	ssettag $0x2  }
0x79: {  	s0 =	rddreg [dreg:$0x0];
	s2 =	stileid.u32  }
0x7a: {  	s1 =	rddreg [dreg:$0x1];
	p0 =	sne.s32 s2, $0x0  }
0x7b: {  	s3 =	rddreg [dreg:$0x2];
	[bflag:$0x3] =	sbarrier.arrive $0xFFFF;
	s2 =	simm.s32 @!p0 $0x1C01  }
0x7c: {  	[timem:s3], [sflag:s2] =	dma.local @!p0 [hbm:s0], s1  }
0x7d: {  	s0 =	simm.s32 @!p0 $0x1  }
0x7e: {  	_ =	swait.ge @!p0 [sflag:s0], s1  }
0x7f: {  	s1 =	ssub.s32 @!p0 $0x0, s1;
	[sflag:s0] =	ssyncset.done @!p0 $0x0  }
0x80: {  	[sflag:s0] =	ssyncadd.s32 @!p0 s1  }
0x81: {  	[bflag:$0x3] =	sbarrier.arrive $0xFFFF  }
0x82: {  	_ =	shalt  }

</sc_bundles>
